<compile_context>
chip_gen: v7x
topology: tpu7x:2x2x1
jax: 0.10.2.dev20260603
libtpu: 0.0.44.dev20260713+nightly
codegen_flags: <defaults>
</compile_context>

<pallas_src>
import functools

import jax
import jax.numpy as jnp
from jax import lax
from jax.experimental import pallas as pl
from jax.experimental.pallas import tpu as pltpu
from jax.experimental.pallas import tpu_sc as plsc

_NS = 16
_NC = 2
_C = 256


def _scale2_body(h_ref, s_ref, ng_ref, nf_ref, hn_ref, sn_ref):
    hn_ref[...] = h_ref[...] * ng_ref[...]
    sn_ref[...] = s_ref[...] * nf_ref[...]


def _scale2(h, s, norm_g, norm_f, bm_rows):
    n, d = h.shape
    grid = (n // bm_rows,)
    row_spec = pl.BlockSpec((bm_rows, d), lambda i: (i, 0))
    nrm_spec = pl.BlockSpec((bm_rows, 1), lambda i: (i, 0))
    out_shape = jax.ShapeDtypeStruct((n, d), jnp.float32)
    return pl.pallas_call(
        _scale2_body,
        grid=grid,
        in_specs=[row_spec, row_spec, nrm_spec, nrm_spec],
        out_specs=[row_spec, row_spec],
        out_shape=[out_shape, out_shape],
    )(h, s, norm_g, norm_f)


def _sc_aggregate(hn, sn, edges_g, edges_f, npad, ept):
    d = hn.shape[1]
    rows_pt = npad // _NS
    mesh = plsc.VectorSubcoreMesh(core_axis_name="c", subcore_axis_name="s")
    out_t = jax.ShapeDtypeStruct((npad, d), jnp.float32)

    @functools.partial(
        pl.kernel,
        out_type=[out_t, out_t],
        mesh=mesh,
        scratch_types=[
            pltpu.VMEM((2 * _C,), jnp.int32),
            pltpu.VMEM((_C, d), jnp.float32),
            pltpu.VMEM_SHARED((npad, d), jnp.float32),
            pltpu.SemaphoreType.DMA,
        ],
    )
    def agg(hn_h, sn_h, edges_g_h, edges_f_h,
            outg_h, outf_h, idx, rows, acc, sem):
        c = lax.axis_index("c")
        s = lax.axis_index("s")
        r0 = s * rows_pt

        def zrow(i, carry):
            for j in range(d // 16):
                rows[i, pl.ds(16 * j, 16)] = jnp.zeros((16,), jnp.float32)
            return carry
        lax.fori_loop(0, _C, zrow, 0)
        off = 0
        while off < rows_pt:
            sz = min(_C, rows_pt - off)
            pltpu.sync_copy(rows.at[pl.ds(0, sz)],
                            acc.at[pl.ds(r0 + off, sz)])
            off += sz
        plsc.subcore_barrier()

        ebase = s * ept

        ebase2 = 2 * ebase

        def edge_loop(table_h, edges_h):
            def body(i, carry):
                base2 = ebase2 + i * (2 * _C)
                pltpu.sync_copy(edges_h.at[pl.ds(base2, 2 * _C)], idx)
                pltpu.async_copy(table_h.at[idx.at[pl.ds(_C, _C)]], rows,
                                 sem).wait()
                pltpu.sync_copy(rows, acc.at[idx.at[pl.ds(0, _C)]],
                                add=True)
                return carry
            lax.fori_loop(0, ept // _C, body, 0)

        @pl.when(c == 0)
        def _():
            edge_loop(hn_h, edges_g_h)

        @pl.when(c == 1)
        def _():
            edge_loop(sn_h, edges_f_h)

        plsc.subcore_barrier()

        @pl.when(c == 0)
        def _():
            pltpu.sync_copy(acc.at[pl.ds(r0, rows_pt)],
                            outg_h.at[pl.ds(r0, rows_pt)])

        @pl.when(c == 1)
        def _():
            pltpu.sync_copy(acc.at[pl.ds(r0, rows_pt)],
                            outf_h.at[pl.ds(r0, rows_pt)])

    return agg(hn, sn, edges_g, edges_f)


def _fuse3_body(ag_ref, af_ref, m_ref, wh_ref, ws_ref, wm_ref,
                ng_ref, nf_ref, bias_ref, o_ref):
    hg = jnp.dot(ag_ref[...], wh_ref[...],
                 preferred_element_type=jnp.float32) * ng_ref[...]
    hf = jnp.dot(af_ref[...], ws_ref[...],
                 preferred_element_type=jnp.float32) * nf_ref[...]
    hm = jnp.dot(m_ref[...], wm_ref[...],
                 preferred_element_type=jnp.float32)
    o_ref[...] = jnp.maximum(hg + hf + hm + bias_ref[...], 0.0)


def _fuse3(ag, af, m, wh, ws, wm, norm_g, norm_f, bias, bm_rows):
    n, d = m.shape
    d_out = wh.shape[1]
    grid = (n // bm_rows,)
    row_spec = pl.BlockSpec((bm_rows, d), lambda i: (i, 0))
    out_spec = pl.BlockSpec((bm_rows, d_out), lambda i: (i, 0))
    w_spec = pl.BlockSpec((d, d_out), lambda i: (0, 0))
    nrm_spec = pl.BlockSpec((bm_rows, 1), lambda i: (i, 0))
    b_spec = pl.BlockSpec((1, d_out), lambda i: (0, 0))
    return pl.pallas_call(
        _fuse3_body,
        grid=grid,
        in_specs=[row_spec, row_spec, row_spec, w_spec, w_spec, w_spec,
                  nrm_spec, nrm_spec, b_spec],
        out_specs=out_spec,
        out_shape=jax.ShapeDtypeStruct((n, d_out), jnp.float32),
    )(ag, af, m, wh, ws, wm, norm_g, norm_f, bias)


def kernel(h, s, m, edge_index_g, edge_index_f, norm_g, norm_f,
           wh, ws, wm, bh, bs, bm):
    n, d = h.shape
    e = edge_index_g.shape[1]

    bm_rows = 2000 if n % 2000 == 0 else 400

    hn, sn = _scale2(h, s, norm_g, norm_f, bm_rows)

    ept = -(-e // (_NS * _C)) * _C
    epad = ept * _NS
    npad = -(-(n + 1) // (_NS * 8)) * (_NS * 8)
    pad = epad - e
    src_g = edge_index_g[0]
    dst_g = edge_index_g[1]
    src_f = edge_index_f[0]
    dst_f = edge_index_f[1]
    if pad:
        zpad = jnp.zeros((pad,), jnp.int32)
        dpad = jnp.full((pad,), n, jnp.int32)
        src_g = jnp.concatenate([src_g, zpad])
        dst_g = jnp.concatenate([dst_g, dpad])
        src_f = jnp.concatenate([src_f, zpad])
        dst_f = jnp.concatenate([dst_f, dpad])
    def _inter(src, dst):
        return jnp.stack([dst.reshape(-1, _C), src.reshape(-1, _C)],
                         axis=1).reshape(-1)
    edges_g = _inter(src_g, dst_g)
    edges_f = _inter(src_f, dst_f)

    agg_g, agg_f = _sc_aggregate(hn, sn, edges_g, edges_f, npad, ept)

    bias = (bh + bs + bm).reshape(1, wh.shape[1])
    return _fuse3(agg_g[:n], agg_f[:n], m, wh, ws, wm, norm_g, norm_f,
                  bias, bm_rows)

# --- scband reference (transcript-rebuilt; emitter-appended) ---
"""Pipeline reference for scband-gcl-skip-global-28681791603391 (READ-ONLY COPY).

The authoritative reference and input builder live on the scoring server;
editing this copy changes nothing except your own understanding.
"""

import jax, jax.numpy as jnp
import numpy as np
import math

N = 10000
E = 320000
D_IN = 128
D_OUT = 128


def setup_inputs(seed: int = 0) -> dict:
    key = jax.random.key(seed)
    ks = jax.random.split(key, 13)
    h = jax.random.normal(ks[0], (N, D_IN), dtype=jnp.float32)
    s = jax.random.normal(ks[1], (N, D_OUT), dtype=jnp.float32)
    m = jax.random.normal(ks[2], (N, D_OUT), dtype=jnp.float32)
    edge_index_g = jax.random.randint(ks[3], (2, E), 0, N, dtype=jnp.int32)
    edge_index_f = jax.random.randint(ks[4], (2, E), 0, N, dtype=jnp.int32)
    norm_g = jax.random.uniform(ks[5], (N, 1), dtype=jnp.float32)
    norm_f = jax.random.uniform(ks[6], (N, 1), dtype=jnp.float32)
    stdv1 = 1.0 / math.sqrt(D_OUT)
    stdv2 = 1.0 / math.sqrt(D_OUT)
    stdv3 = 1.0 / math.sqrt(D_OUT)
    wh = jax.random.uniform(ks[7], (D_IN, D_OUT), minval=-stdv1, maxval=stdv1, dtype=jnp.float32)
    ws = jax.random.uniform(ks[8], (D_OUT, D_OUT), minval=-stdv2, maxval=stdv2, dtype=jnp.float32)
    wm = jax.random.uniform(ks[9], (D_OUT, D_OUT), minval=-stdv3, maxval=stdv3, dtype=jnp.float32)
    bh = jax.random.uniform(ks[10], (D_OUT,), minval=-stdv1, maxval=stdv1, dtype=jnp.float32)
    bs = jax.random.uniform(ks[11], (D_OUT,), minval=-stdv2, maxval=stdv2, dtype=jnp.float32)
    bm = jax.random.uniform(ks[12], (D_OUT,), minval=-stdv3, maxval=stdv3, dtype=jnp.float32)
    return {
        'h': h, 's': s, 'm': m,
        'edge_index_g': edge_index_g, 'edge_index_f': edge_index_f,
        'norm_g': norm_g, 'norm_f': norm_f,
        'wh': wh, 'ws': ws, 'wm': wm,
        'bh': bh, 'bs': bs, 'bm': bm,
    }


def reference(h, s, m, edge_index_g, edge_index_f, norm_g, norm_f, wh, ws, wm, bh, bs, bm):
    # dropout p=0.0 -> identity
    n = h.shape[0]
    h = jnp.matmul(h, wh)
    s = jnp.matmul(s, ws)
    m = jnp.matmul(m, wm)
    # pre-normalize by node norms
    h = h * norm_g
    s = s * norm_f
    # message passing on g: copy_src + sum over incoming edges
    src_g, dst_g = edge_index_g[0], edge_index_g[1]
    h = jax.ops.segment_sum(jnp.take(h, src_g, axis=0), dst_g, num_segments=n)
    # message passing on f
    src_f, dst_f = edge_index_f[0], edge_index_f[1]
    s = jax.ops.segment_sum(jnp.take(s, src_f, axis=0), dst_f, num_segments=n)
    # post-normalize
    h = h * norm_g
    s = s * norm_f
    # bias
    h = h + bh
    s = s + bs
    m = m + bm
    # skip/global fusion
    h = h + s + m
    # activation
    h = jax.nn.relu(h)
    return h

if __name__ == "__main__":
    import jax
    _d = setup_inputs()
    print(jax.jit(kernel)(*tuple(_d.values())))

</pallas_src>

<mosaic_0001>
#map = affine_map<(d0, d1) -> (0, 0)>
#map1 = affine_map<(d0, d1) -> (0)>
module attributes {stable_mosaic.version = 14 : i64} {
  func.func @agg(%arg0: i32, %arg1: i32, %arg2: memref<10000x128xf32, #tpu.memory_space<hbm>>, %arg3: memref<10000x128xf32, #tpu.memory_space<hbm>>, %arg4: memref<647168xi32, #tpu.memory_space<hbm>>, %arg5: memref<647168xi32, #tpu.memory_space<hbm>>, %arg6: memref<10112x128xf32, #tpu.memory_space<hbm>>, %arg7: memref<10112x128xf32, #tpu.memory_space<hbm>>, %arg8: memref<512xi32, #tpu.memory_space<vmem>>, %arg9: memref<256x128xf32, #tpu.memory_space<vmem>>, %arg10: memref<10112x128xf32, #tpu.memory_space<vmem_shared>>, %arg11: memref<!tpu.dma_semaphore, #tpu.memory_space<semaphore_mem>>) attributes {dimension_semantics = [#tpu.dimension_semantics<core_parallel>, #tpu.dimension_semantics<subcore_parallel>], iteration_bounds = array<i64: 2, 16>, scalar_prefetch = 0 : i64, scratch_operands = 4 : i64, tpu.core_type = #tpu.core_type<sc_vector_subcore>, window_params = [{transform_indices = #map}, {transform_indices = #map}, {transform_indices = #map1}, {transform_indices = #map1}, {transform_indices = #map}, {transform_indices = #map}]} {
    %mul3A = arith.constant 632 : i32
    %mul3A_0 = arith.muli %arg1, %mul3A : i32
    %scan3A = arith.constant 0 : i32
    %scan3A_1 = arith.constant 0 : i32
    %scan3A_2 = arith.constant 256 : i32
    %scan3A_3 = arith.addi %scan3A_1, %scan3A_2 : i32
    %scan3A_4 = arith.constant 1 : i32
    scf.for %scan3A_33 = %scan3A_1 to %scan3A_3 step %scan3A_4  : i32 {
      %broadcast_in_dim3A = arith.constant 0.000000e+00 : f32
      %broadcast_in_dim3A_34 = vector.broadcast %broadcast_in_dim3A : f32 to vector<16xf32>
      %swap3A = arith.index_cast %scan3A_33 : i32 to index
      %swap3A_35 = arith.constant 0 : index
      %swap3A_36 = tpu.vector_load %arg9[%swap3A, %swap3A_35] {strides = array<i32>} : memref<256x128xf32, #tpu.memory_space<vmem>>, vector<1x16xf32>,
      %swap3A_37 = vector.shape_cast %swap3A_36 : vector<1x16xf32> to vector<16xf32>
      %swap3A_38 = vector.shape_cast %broadcast_in_dim3A_34 : vector<16xf32> to vector<1x16xf32>
      tpu.vector_store %arg9[%swap3A, %swap3A_35], %swap3A_38 {strides = array<i32>} : memref<256x128xf32, #tpu.memory_space<vmem>>, vector<1x16xf32>,
      %broadcast_in_dim3A_39 = arith.constant 0.000000e+00 : f32
      %broadcast_in_dim3A_40 = vector.broadcast %broadcast_in_dim3A_39 : f32 to vector<16xf32>
      %swap3A_41 = arith.index_cast %scan3A_33 : i32 to index
      %swap3A_42 = arith.constant 16 : index
      %swap3A_43 = tpu.vector_load %arg9[%swap3A_41, %swap3A_42] {strides = array<i32>} : memref<256x128xf32, #tpu.memory_space<vmem>>, vector<1x16xf32>,
      %swap3A_44 = vector.shape_cast %swap3A_43 : vector<1x16xf32> to vector<16xf32>
      %swap3A_45 = vector.shape_cast %broadcast_in_dim3A_40 : vector<16xf32> to vector<1x16xf32>
      tpu.vector_store %arg9[%swap3A_41, %swap3A_42], %swap3A_45 {strides = array<i32>} : memref<256x128xf32, #tpu.memory_space<vmem>>, vector<1x16xf32>,
      %broadcast_in_dim3A_46 = arith.constant 0.000000e+00 : f32
      %broadcast_in_dim3A_47 = vector.broadcast %broadcast_in_dim3A_46 : f32 to vector<16xf32>
      %swap3A_48 = arith.index_cast %scan3A_33 : i32 to index
      %swap3A_49 = arith.constant 32 : index
      %swap3A_50 = tpu.vector_load %arg9[%swap3A_48, %swap3A_49] {strides = array<i32>} : memref<256x128xf32, #tpu.memory_space<vmem>>, vector<1x16xf32>,
      %swap3A_51 = vector.shape_cast %swap3A_50 : vector<1x16xf32> to vector<16xf32>
      %swap3A_52 = vector.shape_cast %broadcast_in_dim3A_47 : vector<16xf32> to vector<1x16xf32>
      tpu.vector_store %arg9[%swap3A_48, %swap3A_49], %swap3A_52 {strides = array<i32>} : memref<256x128xf32, #tpu.memory_space<vmem>>, vector<1x16xf32>,
      %broadcast_in_dim3A_53 = arith.constant 0.000000e+00 : f32
      %broadcast_in_dim3A_54 = vector.broadcast %broadcast_in_dim3A_53 : f32 to vector<16xf32>
      %swap3A_55 = arith.index_cast %scan3A_33 : i32 to index
      %swap3A_56 = arith.constant 48 : index
      %swap3A_57 = tpu.vector_load %arg9[%swap3A_55, %swap3A_56] {strides = array<i32>} : memref<256x128xf32, #tpu.memory_space<vmem>>, vector<1x16xf32>,
      %swap3A_58 = vector.shape_cast %swap3A_57 : vector<1x16xf32> to vector<16xf32>
      %swap3A_59 = vector.shape_cast %broadcast_in_dim3A_54 : vector<16xf32> to vector<1x16xf32>
      tpu.vector_store %arg9[%swap3A_55, %swap3A_56], %swap3A_59 {strides = array<i32>} : memref<256x128xf32, #tpu.memory_space<vmem>>, vector<1x16xf32>,
      %broadcast_in_dim3A_60 = arith.constant 0.000000e+00 : f32
      %broadcast_in_dim3A_61 = vector.broadcast %broadcast_in_dim3A_60 : f32 to vector<16xf32>
      %swap3A_62 = arith.index_cast %scan3A_33 : i32 to index
      %swap3A_63 = arith.constant 64 : index
      %swap3A_64 = tpu.vector_load %arg9[%swap3A_62, %swap3A_63] {strides = array<i32>} : memref<256x128xf32, #tpu.memory_space<vmem>>, vector<1x16xf32>,
      %swap3A_65 = vector.shape_cast %swap3A_64 : vector<1x16xf32> to vector<16xf32>
      %swap3A_66 = vector.shape_cast %broadcast_in_dim3A_61 : vector<16xf32> to vector<1x16xf32>
      tpu.vector_store %arg9[%swap3A_62, %swap3A_63], %swap3A_66 {strides = array<i32>} : memref<256x128xf32, #tpu.memory_space<vmem>>, vector<1x16xf32>,
      %broadcast_in_dim3A_67 = arith.constant 0.000000e+00 : f32
      %broadcast_in_dim3A_68 = vector.broadcast %broadcast_in_dim3A_67 : f32 to vector<16xf32>
      %swap3A_69 = arith.index_cast %scan3A_33 : i32 to index
      %swap3A_70 = arith.constant 80 : index
      %swap3A_71 = tpu.vector_load %arg9[%swap3A_69, %swap3A_70] {strides = array<i32>} : memref<256x128xf32, #tpu.memory_space<vmem>>, vector<1x16xf32>,
      %swap3A_72 = vector.shape_cast %swap3A_71 : vector<1x16xf32> to vector<16xf32>
      %swap3A_73 = vector.shape_cast %broadcast_in_dim3A_68 : vector<16xf32> to vector<1x16xf32>
      tpu.vector_store %arg9[%swap3A_69, %swap3A_70], %swap3A_73 {strides = array<i32>} : memref<256x128xf32, #tpu.memory_space<vmem>>, vector<1x16xf32>,
      %broadcast_in_dim3A_74 = arith.constant 0.000000e+00 : f32
      %broadcast_in_dim3A_75 = vector.broadcast %broadcast_in_dim3A_74 : f32 to vector<16xf32>
      %swap3A_76 = arith.index_cast %scan3A_33 : i32 to index
      %swap3A_77 = arith.constant 96 : index
      %swap3A_78 = tpu.vector_load %arg9[%swap3A_76, %swap3A_77] {strides = array<i32>} : memref<256x128xf32, #tpu.memory_space<vmem>>, vector<1x16xf32>,
      %swap3A_79 = vector.shape_cast %swap3A_78 : vector<1x16xf32> to vector<16xf32>
      %swap3A_80 = vector.shape_cast %broadcast_in_dim3A_75 : vector<16xf32> to vector<1x16xf32>
      tpu.vector_store %arg9[%swap3A_76, %swap3A_77], %swap3A_80 {strides = array<i32>} : memref<256x128xf32, #tpu.memory_space<vmem>>, vector<1x16xf32>,
      %broadcast_in_dim3A_81 = arith.constant 0.000000e+00 : f32
      %broadcast_in_dim3A_82 = vector.broadcast %broadcast_in_dim3A_81 : f32 to vector<16xf32>
      %swap3A_83 = arith.index_cast %scan3A_33 : i32 to index
      %swap3A_84 = arith.constant 112 : index
      %swap3A_85 = tpu.vector_load %arg9[%swap3A_83, %swap3A_84] {strides = array<i32>} : memref<256x128xf32, #tpu.memory_space<vmem>>, vector<1x16xf32>,
      %swap3A_86 = vector.shape_cast %swap3A_85 : vector<1x16xf32> to vector<16xf32>
      %swap3A_87 = vector.shape_cast %broadcast_in_dim3A_82 : vector<16xf32> to vector<1x16xf32>
      tpu.vector_store %arg9[%swap3A_83, %swap3A_84], %swap3A_87 {strides = array<i32>} : memref<256x128xf32, #tpu.memory_space<vmem>>, vector<1x16xf32>,
    }
    %scan3A_5 = arith.constant 256 : i32
    %add3A = arith.constant 0 : i32
    %add3A_6 = arith.addi %mul3A_0, %add3A : i32
    "tpu.region"() ({
      %run_scoped3A = tpu.sem_alloc : memref<!tpu.dma_semaphore, #tpu.memory_space<semaphore_mem>>
      %dma_start3A = arith.constant 0 : i32
      %dma_start3A_33 = arith.constant 0 : i32
      %dma_start3A_34 = tpu.memref_slice %arg9[%dma_start3A, %dma_start3A_33] : memref<256x128xf32, #tpu.memory_space<vmem>> -> memref<256x128xf32, #tpu.memory_space<vmem>>
      %dma_start3A_35 = arith.constant 0 : i32
      %dma_start3A_36 = tpu.memref_slice %arg10[%add3A_6, %dma_start3A_35] : memref<10112x128xf32, #tpu.memory_space<vmem_shared>> -> memref<256x128xf32, #tpu.memory_space<vmem_shared>>
      %dma_start3A_37 = arith.constant 0 : i32
      %dma_start3A_38 = tpu.memref_slice %arg10[%add3A_6, %dma_start3A_37] : memref<10112x128xf32, #tpu.memory_space<vmem_shared>> -> memref<256x128xf32, #tpu.memory_space<vmem_shared>>
      %dma_start3A_39 = arith.constant 0 : i32
      %dma_start3A_40 = arith.constant 0 : i32
      %dma_start3A_41 = tpu.memref_slice %arg9[%dma_start3A_39, %dma_start3A_40] : memref<256x128xf32, #tpu.memory_space<vmem>> -> memref<256x128xf32, #tpu.memory_space<vmem>>
      tpu.enqueue_dma source(%dma_start3A_41 : memref<256x128xf32, #tpu.memory_space<vmem>>) target(%dma_start3A_38 : memref<256x128xf32, #tpu.memory_space<vmem_shared>>) target_semaphore(%run_scoped3A : memref<!tpu.dma_semaphore, #tpu.memory_space<semaphore_mem>>)
      %dma_wait3A = arith.constant 0 : i32
      %dma_wait3A_42 = arith.constant 0 : i32
      %dma_wait3A_43 = tpu.memref_slice %arg9[%dma_wait3A, %dma_wait3A_42] : memref<256x128xf32, #tpu.memory_space<vmem>> -> memref<256x128xf32, #tpu.memory_space<vmem>>
      %dma_wait3A_44 = arith.constant 0 : i32
      %dma_wait3A_45 = tpu.memref_slice %arg10[%add3A_6, %dma_wait3A_44] : memref<10112x128xf32, #tpu.memory_space<vmem_shared>> -> memref<256x128xf32, #tpu.memory_space<vmem_shared>>
      %dma_wait3A_46 = arith.constant 0 : i32
      %dma_wait3A_47 = tpu.memref_slice %arg10[%add3A_6, %dma_wait3A_46] : memref<10112x128xf32, #tpu.memory_space<vmem_shared>> -> memref<256x128xf32, #tpu.memory_space<vmem_shared>>
      %dma_wait3A_48 = arith.constant 0 : i32
      %dma_wait3A_49 = arith.constant 0 : i32
      %dma_wait3A_50 = tpu.memref_slice %arg9[%dma_wait3A_48, %dma_wait3A_49] : memref<256x128xf32, #tpu.memory_space<vmem>> -> memref<256x128xf32, #tpu.memory_space<vmem>>
      tpu.wait_dma2 semaphore(%run_scoped3A : memref<!tpu.dma_semaphore, #tpu.memory_space<semaphore_mem>>) src(%dma_wait3A_50 : memref<256x128xf32, #tpu.memory_space<vmem>>) dst(%dma_wait3A_47 : memref<256x128xf32, #tpu.memory_space<vmem_shared>>)
      tpu.yield
    }) : () -> ()
    %add3A_7 = arith.constant 256 : i32
    %add3A_8 = arith.addi %mul3A_0, %add3A_7 : i32
    "tpu.region"() ({
      %run_scoped3A = tpu.sem_alloc : memref<!tpu.dma_semaphore, #tpu.memory_space<semaphore_mem>>
      %dma_start3A = arith.constant 0 : i32
      %dma_start3A_33 = arith.constant 0 : i32
      %dma_start3A_34 = tpu.memref_slice %arg9[%dma_start3A, %dma_start3A_33] : memref<256x128xf32, #tpu.memory_space<vmem>> -> memref<256x128xf32, #tpu.memory_space<vmem>>
      %dma_start3A_35 = arith.constant 0 : i32
      %dma_start3A_36 = tpu.memref_slice %arg10[%add3A_8, %dma_start3A_35] : memref<10112x128xf32, #tpu.memory_space<vmem_shared>> -> memref<256x128xf32, #tpu.memory_space<vmem_shared>>
      %dma_start3A_37 = arith.constant 0 : i32
      %dma_start3A_38 = tpu.memref_slice %arg10[%add3A_8, %dma_start3A_37] : memref<10112x128xf32, #tpu.memory_space<vmem_shared>> -> memref<256x128xf32, #tpu.memory_space<vmem_shared>>
      %dma_start3A_39 = arith.constant 0 : i32
      %dma_start3A_40 = arith.constant 0 : i32
      %dma_start3A_41 = tpu.memref_slice %arg9[%dma_start3A_39, %dma_start3A_40] : memref<256x128xf32, #tpu.memory_space<vmem>> -> memref<256x128xf32, #tpu.memory_space<vmem>>
      tpu.enqueue_dma source(%dma_start3A_41 : memref<256x128xf32, #tpu.memory_space<vmem>>) target(%dma_start3A_38 : memref<256x128xf32, #tpu.memory_space<vmem_shared>>) target_semaphore(%run_scoped3A : memref<!tpu.dma_semaphore, #tpu.memory_space<semaphore_mem>>)
      %dma_wait3A = arith.constant 0 : i32
      %dma_wait3A_42 = arith.constant 0 : i32
      %dma_wait3A_43 = tpu.memref_slice %arg9[%dma_wait3A, %dma_wait3A_42] : memref<256x128xf32, #tpu.memory_space<vmem>> -> memref<256x128xf32, #tpu.memory_space<vmem>>
      %dma_wait3A_44 = arith.constant 0 : i32
      %dma_wait3A_45 = tpu.memref_slice %arg10[%add3A_8, %dma_wait3A_44] : memref<10112x128xf32, #tpu.memory_space<vmem_shared>> -> memref<256x128xf32, #tpu.memory_space<vmem_shared>>
      %dma_wait3A_46 = arith.constant 0 : i32
      %dma_wait3A_47 = tpu.memref_slice %arg10[%add3A_8, %dma_wait3A_46] : memref<10112x128xf32, #tpu.memory_space<vmem_shared>> -> memref<256x128xf32, #tpu.memory_space<vmem_shared>>
      %dma_wait3A_48 = arith.constant 0 : i32
      %dma_wait3A_49 = arith.constant 0 : i32
      %dma_wait3A_50 = tpu.memref_slice %arg9[%dma_wait3A_48, %dma_wait3A_49] : memref<256x128xf32, #tpu.memory_space<vmem>> -> memref<256x128xf32, #tpu.memory_space<vmem>>
      tpu.wait_dma2 semaphore(%run_scoped3A : memref<!tpu.dma_semaphore, #tpu.memory_space<semaphore_mem>>) src(%dma_wait3A_50 : memref<256x128xf32, #tpu.memory_space<vmem>>) dst(%dma_wait3A_47 : memref<256x128xf32, #tpu.memory_space<vmem_shared>>)
      tpu.yield
    }) : () -> ()
    %add3A_9 = arith.constant 512 : i32
    %add3A_10 = arith.addi %mul3A_0, %add3A_9 : i32
    "tpu.region"() ({
      %run_scoped3A = tpu.sem_alloc : memref<!tpu.dma_semaphore, #tpu.memory_space<semaphore_mem>>
      %dma_start3A = arith.constant 0 : i32
      %dma_start3A_33 = arith.constant 0 : i32
      %dma_start3A_34 = tpu.memref_slice %arg9[%dma_start3A, %dma_start3A_33] : memref<256x128xf32, #tpu.memory_space<vmem>> -> memref<120x128xf32, #tpu.memory_space<vmem>>
      %dma_start3A_35 = arith.constant 0 : i32
      %dma_start3A_36 = tpu.memref_slice %arg10[%add3A_10, %dma_start3A_35] : memref<10112x128xf32, #tpu.memory_space<vmem_shared>> -> memref<120x128xf32, #tpu.memory_space<vmem_shared>>
      %dma_start3A_37 = arith.constant 0 : i32
      %dma_start3A_38 = tpu.memref_slice %arg10[%add3A_10, %dma_start3A_37] : memref<10112x128xf32, #tpu.memory_space<vmem_shared>> -> memref<120x128xf32, #tpu.memory_space<vmem_shared>>
      %dma_start3A_39 = arith.constant 0 : i32
      %dma_start3A_40 = arith.constant 0 : i32
      %dma_start3A_41 = tpu.memref_slice %arg9[%dma_start3A_39, %dma_start3A_40] : memref<256x128xf32, #tpu.memory_space<vmem>> -> memref<120x128xf32, #tpu.memory_space<vmem>>
      tpu.enqueue_dma source(%dma_start3A_41 : memref<120x128xf32, #tpu.memory_space<vmem>>) target(%dma_start3A_38 : memref<120x128xf32, #tpu.memory_space<vmem_shared>>) target_semaphore(%run_scoped3A : memref<!tpu.dma_semaphore, #tpu.memory_space<semaphore_mem>>)
      %dma_wait3A = arith.constant 0 : i32
      %dma_wait3A_42 = arith.constant 0 : i32
      %dma_wait3A_43 = tpu.memref_slice %arg9[%dma_wait3A, %dma_wait3A_42] : memref<256x128xf32, #tpu.memory_space<vmem>> -> memref<120x128xf32, #tpu.memory_space<vmem>>
      %dma_wait3A_44 = arith.constant 0 : i32
      %dma_wait3A_45 = tpu.memref_slice %arg10[%add3A_10, %dma_wait3A_44] : memref<10112x128xf32, #tpu.memory_space<vmem_shared>> -> memref<120x128xf32, #tpu.memory_space<vmem_shared>>
      %dma_wait3A_46 = arith.constant 0 : i32
      %dma_wait3A_47 = tpu.memref_slice %arg10[%add3A_10, %dma_wait3A_46] : memref<10112x128xf32, #tpu.memory_space<vmem_shared>> -> memref<120x128xf32, #tpu.memory_space<vmem_shared>>
      %dma_wait3A_48 = arith.constant 0 : i32
      %dma_wait3A_49 = arith.constant 0 : i32
      %dma_wait3A_50 = tpu.memref_slice %arg9[%dma_wait3A_48, %dma_wait3A_49] : memref<256x128xf32, #tpu.memory_space<vmem>> -> memref<120x128xf32, #tpu.memory_space<vmem>>
      tpu.wait_dma2 semaphore(%run_scoped3A : memref<!tpu.dma_semaphore, #tpu.memory_space<semaphore_mem>>) src(%dma_wait3A_50 : memref<120x128xf32, #tpu.memory_space<vmem>>) dst(%dma_wait3A_47 : memref<120x128xf32, #tpu.memory_space<vmem_shared>>)
      tpu.yield
    }) : () -> ()
    %barrier3A = arith.constant 0 : index
    tpu.barrier barrier_id(%barrier3A)
    %mul3A_11 = arith.constant 20224 : i32
    %mul3A_12 = arith.muli %arg1, %mul3A_11 : i32
    %mul3A_13 = arith.constant 2 : i32
    %mul3A_14 = arith.muli %mul3A_13, %mul3A_12 : i32
    %eq3A = arith.constant 0 : i32
    %eq3A_15 = arith.cmpi eq, %arg0, %eq3A : i32
    %convert_element_type3A = arith.extui %eq3A_15 : i1 to i32
    %cond3A = arith.constant 0 : i32
    %cond3A_16 = arith.cmpi ne, %convert_element_type3A, %cond3A : i32
    scf.if %cond3A_16 {
      %scan3A_33 = arith.constant 0 : i32
      %scan3A_34 = arith.constant 0 : i32
      %scan3A_35 = arith.constant 79 : i32
      %scan3A_36 = arith.addi %scan3A_34, %scan3A_35 : i32
      %scan3A_37 = arith.constant 1 : i32
      scf.for %scan3A_39 = %scan3A_34 to %scan3A_36 step %scan3A_37  : i32 {
        %mul3A_40 = arith.constant 512 : i32
        %mul3A_41 = arith.muli %scan3A_39, %mul3A_40 : i32
        %add3A_42 = arith.addi %mul3A_14, %mul3A_41 : i32
        "tpu.region"() ({
          %run_scoped3A = tpu.sem_alloc : memref<!tpu.dma_semaphore, #tpu.memory_space<semaphore_mem>>
          %dma_start3A_51 = tpu.memref_slice %arg4[%add3A_42] : memref<647168xi32, #tpu.memory_space<hbm>> -> memref<512xi32, #tpu.memory_space<hbm>>
          %dma_start3A_52 = tpu.memref_slice %arg4[%add3A_42] : memref<647168xi32, #tpu.memory_space<hbm>> -> memref<512xi32, #tpu.memory_space<hbm>>
          tpu.enqueue_dma source(%dma_start3A_52 : memref<512xi32, #tpu.memory_space<hbm>>) target(%arg8 : memref<512xi32, #tpu.memory_space<vmem>>) target_semaphore(%run_scoped3A : memref<!tpu.dma_semaphore, #tpu.memory_space<semaphore_mem>>)
          %dma_wait3A_53 = tpu.memref_slice %arg4[%add3A_42] : memref<647168xi32, #tpu.memory_space<hbm>> -> memref<512xi32, #tpu.memory_space<hbm>>
          %dma_wait3A_54 = tpu.memref_slice %arg4[%add3A_42] : memref<647168xi32, #tpu.memory_space<hbm>> -> memref<512xi32, #tpu.memory_space<hbm>>
          tpu.wait_dma2 semaphore(%run_scoped3A : memref<!tpu.dma_semaphore, #tpu.memory_space<semaphore_mem>>) src(%dma_wait3A_54 : memref<512xi32, #tpu.memory_space<hbm>>) dst(%arg8 : memref<512xi32, #tpu.memory_space<vmem>>)
          tpu.yield
        }) : () -> ()
        %dma_start3A = arith.constant 256 : i32
        %dma_start3A_43 = tpu.memref_slice %arg8[%dma_start3A] : memref<512xi32, #tpu.memory_space<vmem>> -> memref<256xi32, #tpu.memory_space<vmem>>
        %dma_start3A_44 = arith.constant 0 : i32
        %dma_start3A_45 = arith.constant 0 : i32
        %dma_start3A_46 = tpu.memref_slice %arg2[%dma_start3A_44, %dma_start3A_45] : memref<10000x128xf32, #tpu.memory_space<hbm>> -> memref<10000x128xf32, #tpu.memory_space<hbm>>
        tpu.enqueue_indirect_dma source(%dma_start3A_46 : memref<10000x128xf32, #tpu.memory_space<hbm>>) target(%arg9 : memref<256x128xf32, #tpu.memory_space<vmem>>) offsets(%dma_start3A_43 : memref<256xi32, #tpu.memory_space<vmem>>) semaphore(%arg11 : memref<!tpu.dma_semaphore, #tpu.memory_space<semaphore_mem>>)
        %dma_wait3A = arith.constant 256 : i32
        %dma_wait3A_47 = tpu.memref_slice %arg8[%dma_wait3A] : memref<512xi32, #tpu.memory_space<vmem>> -> memref<256xi32, #tpu.memory_space<vmem>>
        %dma_wait3A_48 = arith.constant 0 : i32
        %dma_wait3A_49 = arith.constant 0 : i32
        %dma_wait3A_50 = tpu.memref_slice %arg2[%dma_wait3A_48, %dma_wait3A_49] : memref<10000x128xf32, #tpu.memory_space<hbm>> -> memref<10000x128xf32, #tpu.memory_space<hbm>>
        tpu.wait_indirect_dma semaphore(%arg11 : memref<!tpu.dma_semaphore, #tpu.memory_space<semaphore_mem>>) src(%dma_wait3A_50 : memref<10000x128xf32, #tpu.memory_space<hbm>>) dst(%arg9 : memref<256x128xf32, #tpu.memory_space<vmem>>)
        "tpu.region"() ({
          %run_scoped3A = tpu.sem_alloc : memref<!tpu.dma_semaphore, #tpu.memory_space<semaphore_mem>>
          %dma_start3A_51 = arith.constant 0 : i32
          %dma_start3A_52 = tpu.memref_slice %arg8[%dma_start3A_51] : memref<512xi32, #tpu.memory_space<vmem>> -> memref<256xi32, #tpu.memory_space<vmem>>
          %dma_start3A_53 = arith.constant 0 : i32
          %dma_start3A_54 = arith.constant 0 : i32
          %dma_start3A_55 = tpu.memref_slice %arg10[%dma_start3A_53, %dma_start3A_54] : memref<10112x128xf32, #tpu.memory_space<vmem_shared>> -> memref<10112x128xf32, #tpu.memory_space<vmem_shared>>
          tpu.enqueue_indirect_dma source(%arg9 : memref<256x128xf32, #tpu.memory_space<vmem>>) target(%dma_start3A_55 : memref<10112x128xf32, #tpu.memory_space<vmem_shared>>) offsets(%dma_start3A_52 : memref<256xi32, #tpu.memory_space<vmem>>) semaphore(%run_scoped3A : memref<!tpu.dma_semaphore, #tpu.memory_space<semaphore_mem>>) {add = true}
          %dma_wait3A_56 = arith.constant 0 : i32
          %dma_wait3A_57 = tpu.memref_slice %arg8[%dma_wait3A_56] : memref<512xi32, #tpu.memory_space<vmem>> -> memref<256xi32, #tpu.memory_space<vmem>>
          %dma_wait3A_58 = arith.constant 0 : i32
          %dma_wait3A_59 = arith.constant 0 : i32
          %dma_wait3A_60 = tpu.memref_slice %arg10[%dma_wait3A_58, %dma_wait3A_59] : memref<10112x128xf32, #tpu.memory_space<vmem_shared>> -> memref<10112x128xf32, #tpu.memory_space<vmem_shared>>
          tpu.wait_indirect_dma semaphore(%run_scoped3A : memref<!tpu.dma_semaphore, #tpu.memory_space<semaphore_mem>>) src(%arg9 : memref<256x128xf32, #tpu.memory_space<vmem>>) dst(%dma_wait3A_60 : memref<10112x128xf32, #tpu.memory_space<vmem_shared>>)
          tpu.yield
        }) : () -> ()
      }
      %scan3A_38 = arith.constant 79 : i32
    } else {
    }
    %eq3A_17 = arith.constant 1 : i32
    %eq3A_18 = arith.cmpi eq, %arg0, %eq3A_17 : i32
    %convert_element_type3A_19 = arith.extui %eq3A_18 : i1 to i32
    %cond3A_20 = arith.constant 0 : i32
    %cond3A_21 = arith.cmpi ne, %convert_element_type3A_19, %cond3A_20 : i32
    scf.if %cond3A_21 {
      %scan3A_33 = arith.constant 0 : i32
      %scan3A_34 = arith.constant 0 : i32
      %scan3A_35 = arith.constant 79 : i32
      %scan3A_36 = arith.addi %scan3A_34, %scan3A_35 : i32
      %scan3A_37 = arith.constant 1 : i32
      scf.for %scan3A_39 = %scan3A_34 to %scan3A_36 step %scan3A_37  : i32 {
        %mul3A_40 = arith.constant 512 : i32
        %mul3A_41 = arith.muli %scan3A_39, %mul3A_40 : i32
        %add3A_42 = arith.addi %mul3A_14, %mul3A_41 : i32
        "tpu.region"() ({
          %run_scoped3A = tpu.sem_alloc : memref<!tpu.dma_semaphore, #tpu.memory_space<semaphore_mem>>
          %dma_start3A_51 = tpu.memref_slice %arg5[%add3A_42] : memref<647168xi32, #tpu.memory_space<hbm>> -> memref<512xi32, #tpu.memory_space<hbm>>
          %dma_start3A_52 = tpu.memref_slice %arg5[%add3A_42] : memref<647168xi32, #tpu.memory_space<hbm>> -> memref<512xi32, #tpu.memory_space<hbm>>
          tpu.enqueue_dma source(%dma_start3A_52 : memref<512xi32, #tpu.memory_space<hbm>>) target(%arg8 : memref<512xi32, #tpu.memory_space<vmem>>) target_semaphore(%run_scoped3A : memref<!tpu.dma_semaphore, #tpu.memory_space<semaphore_mem>>)
          %dma_wait3A_53 = tpu.memref_slice %arg5[%add3A_42] : memref<647168xi32, #tpu.memory_space<hbm>> -> memref<512xi32, #tpu.memory_space<hbm>>
          %dma_wait3A_54 = tpu.memref_slice %arg5[%add3A_42] : memref<647168xi32, #tpu.memory_space<hbm>> -> memref<512xi32, #tpu.memory_space<hbm>>
          tpu.wait_dma2 semaphore(%run_scoped3A : memref<!tpu.dma_semaphore, #tpu.memory_space<semaphore_mem>>) src(%dma_wait3A_54 : memref<512xi32, #tpu.memory_space<hbm>>) dst(%arg8 : memref<512xi32, #tpu.memory_space<vmem>>)
          tpu.yield
        }) : () -> ()
        %dma_start3A = arith.constant 256 : i32
        %dma_start3A_43 = tpu.memref_slice %arg8[%dma_start3A] : memref<512xi32, #tpu.memory_space<vmem>> -> memref<256xi32, #tpu.memory_space<vmem>>
        %dma_start3A_44 = arith.constant 0 : i32
        %dma_start3A_45 = arith.constant 0 : i32
        %dma_start3A_46 = tpu.memref_slice %arg3[%dma_start3A_44, %dma_start3A_45] : memref<10000x128xf32, #tpu.memory_space<hbm>> -> memref<10000x128xf32, #tpu.memory_space<hbm>>
        tpu.enqueue_indirect_dma source(%dma_start3A_46 : memref<10000x128xf32, #tpu.memory_space<hbm>>) target(%arg9 : memref<256x128xf32, #tpu.memory_space<vmem>>) offsets(%dma_start3A_43 : memref<256xi32, #tpu.memory_space<vmem>>) semaphore(%arg11 : memref<!tpu.dma_semaphore, #tpu.memory_space<semaphore_mem>>)
        %dma_wait3A = arith.constant 256 : i32
        %dma_wait3A_47 = tpu.memref_slice %arg8[%dma_wait3A] : memref<512xi32, #tpu.memory_space<vmem>> -> memref<256xi32, #tpu.memory_space<vmem>>
        %dma_wait3A_48 = arith.constant 0 : i32
        %dma_wait3A_49 = arith.constant 0 : i32
        %dma_wait3A_50 = tpu.memref_slice %arg3[%dma_wait3A_48, %dma_wait3A_49] : memref<10000x128xf32, #tpu.memory_space<hbm>> -> memref<10000x128xf32, #tpu.memory_space<hbm>>
        tpu.wait_indirect_dma semaphore(%arg11 : memref<!tpu.dma_semaphore, #tpu.memory_space<semaphore_mem>>) src(%dma_wait3A_50 : memref<10000x128xf32, #tpu.memory_space<hbm>>) dst(%arg9 : memref<256x128xf32, #tpu.memory_space<vmem>>)
        "tpu.region"() ({
          %run_scoped3A = tpu.sem_alloc : memref<!tpu.dma_semaphore, #tpu.memory_space<semaphore_mem>>
          %dma_start3A_51 = arith.constant 0 : i32
          %dma_start3A_52 = tpu.memref_slice %arg8[%dma_start3A_51] : memref<512xi32, #tpu.memory_space<vmem>> -> memref<256xi32, #tpu.memory_space<vmem>>
          %dma_start3A_53 = arith.constant 0 : i32
          %dma_start3A_54 = arith.constant 0 : i32
          %dma_start3A_55 = tpu.memref_slice %arg10[%dma_start3A_53, %dma_start3A_54] : memref<10112x128xf32, #tpu.memory_space<vmem_shared>> -> memref<10112x128xf32, #tpu.memory_space<vmem_shared>>
          tpu.enqueue_indirect_dma source(%arg9 : memref<256x128xf32, #tpu.memory_space<vmem>>) target(%dma_start3A_55 : memref<10112x128xf32, #tpu.memory_space<vmem_shared>>) offsets(%dma_start3A_52 : memref<256xi32, #tpu.memory_space<vmem>>) semaphore(%run_scoped3A : memref<!tpu.dma_semaphore, #tpu.memory_space<semaphore_mem>>) {add = true}
          %dma_wait3A_56 = arith.constant 0 : i32
          %dma_wait3A_57 = tpu.memref_slice %arg8[%dma_wait3A_56] : memref<512xi32, #tpu.memory_space<vmem>> -> memref<256xi32, #tpu.memory_space<vmem>>
          %dma_wait3A_58 = arith.constant 0 : i32
          %dma_wait3A_59 = arith.constant 0 : i32
          %dma_wait3A_60 = tpu.memref_slice %arg10[%dma_wait3A_58, %dma_wait3A_59] : memref<10112x128xf32, #tpu.memory_space<vmem_shared>> -> memref<10112x128xf32, #tpu.memory_space<vmem_shared>>
          tpu.wait_indirect_dma semaphore(%run_scoped3A : memref<!tpu.dma_semaphore, #tpu.memory_space<semaphore_mem>>) src(%arg9 : memref<256x128xf32, #tpu.memory_space<vmem>>) dst(%dma_wait3A_60 : memref<10112x128xf32, #tpu.memory_space<vmem_shared>>)
          tpu.yield
        }) : () -> ()
      }
      %scan3A_38 = arith.constant 79 : i32
    } else {
    }
    %barrier3A_22 = arith.constant 0 : index
    tpu.barrier barrier_id(%barrier3A_22)
    %eq3A_23 = arith.constant 0 : i32
    %eq3A_24 = arith.cmpi eq, %arg0, %eq3A_23 : i32
    %convert_element_type3A_25 = arith.extui %eq3A_24 : i1 to i32
    %cond3A_26 = arith.constant 0 : i32
    %cond3A_27 = arith.cmpi ne, %convert_element_type3A_25, %cond3A_26 : i32
    scf.if %cond3A_27 {
      "tpu.region"() ({
        %run_scoped3A = tpu.sem_alloc : memref<!tpu.dma_semaphore, #tpu.memory_space<semaphore_mem>>
        %dma_start3A = arith.constant 0 : i32
        %dma_start3A_33 = tpu.memref_slice %arg6[%mul3A_0, %dma_start3A] : memref<10112x128xf32, #tpu.memory_space<hbm>> -> memref<632x128xf32, #tpu.memory_space<hbm>>
        %dma_start3A_34 = arith.constant 0 : i32
        %dma_start3A_35 = tpu.memref_slice %arg10[%mul3A_0, %dma_start3A_34] : memref<10112x128xf32, #tpu.memory_space<vmem_shared>> -> memref<632x128xf32, #tpu.memory_space<vmem_shared>>
        tpu.enqueue_dma source(%dma_start3A_35 : memref<632x128xf32, #tpu.memory_space<vmem_shared>>) target(%dma_start3A_33 : memref<632x128xf32, #tpu.memory_space<hbm>>) target_semaphore(%run_scoped3A : memref<!tpu.dma_semaphore, #tpu.memory_space<semaphore_mem>>)
        %dma_wait3A = arith.constant 0 : i32
        %dma_wait3A_36 = tpu.memref_slice %arg6[%mul3A_0, %dma_wait3A] : memref<10112x128xf32, #tpu.memory_space<hbm>> -> memref<632x128xf32, #tpu.memory_space<hbm>>
        %dma_wait3A_37 = arith.constant 0 : i32
        %dma_wait3A_38 = tpu.memref_slice %arg10[%mul3A_0, %dma_wait3A_37] : memref<10112x128xf32, #tpu.memory_space<vmem_shared>> -> memref<632x128xf32, #tpu.memory_space<vmem_shared>>
        tpu.wait_dma2 semaphore(%run_scoped3A : memref<!tpu.dma_semaphore, #tpu.memory_space<semaphore_mem>>) src(%dma_wait3A_38 : memref<632x128xf32, #tpu.memory_space<vmem_shared>>) dst(%dma_wait3A_36 : memref<632x128xf32, #tpu.memory_space<hbm>>)
        tpu.yield
      }) : () -> ()
    } else {
    }
    %eq3A_28 = arith.constant 1 : i32
    %eq3A_29 = arith.cmpi eq, %arg0, %eq3A_28 : i32
    %convert_element_type3A_30 = arith.extui %eq3A_29 : i1 to i32
    %cond3A_31 = arith.constant 0 : i32
    %cond3A_32 = arith.cmpi ne, %convert_element_type3A_30, %cond3A_31 : i32
    scf.if %cond3A_32 {
      "tpu.region"() ({
        %run_scoped3A = tpu.sem_alloc : memref<!tpu.dma_semaphore, #tpu.memory_space<semaphore_mem>>
        %dma_start3A = arith.constant 0 : i32
        %dma_start3A_33 = tpu.memref_slice %arg7[%mul3A_0, %dma_start3A] : memref<10112x128xf32, #tpu.memory_space<hbm>> -> memref<632x128xf32, #tpu.memory_space<hbm>>
        %dma_start3A_34 = arith.constant 0 : i32
        %dma_start3A_35 = tpu.memref_slice %arg10[%mul3A_0, %dma_start3A_34] : memref<10112x128xf32, #tpu.memory_space<vmem_shared>> -> memref<632x128xf32, #tpu.memory_space<vmem_shared>>
        tpu.enqueue_dma source(%dma_start3A_35 : memref<632x128xf32, #tpu.memory_space<vmem_shared>>) target(%dma_start3A_33 : memref<632x128xf32, #tpu.memory_space<hbm>>) target_semaphore(%run_scoped3A : memref<!tpu.dma_semaphore, #tpu.memory_space<semaphore_mem>>)
        %dma_wait3A = arith.constant 0 : i32
        %dma_wait3A_36 = tpu.memref_slice %arg7[%mul3A_0, %dma_wait3A] : memref<10112x128xf32, #tpu.memory_space<hbm>> -> memref<632x128xf32, #tpu.memory_space<hbm>>
        %dma_wait3A_37 = arith.constant 0 : i32
        %dma_wait3A_38 = tpu.memref_slice %arg10[%mul3A_0, %dma_wait3A_37] : memref<10112x128xf32, #tpu.memory_space<vmem_shared>> -> memref<632x128xf32, #tpu.memory_space<vmem_shared>>
        tpu.wait_dma2 semaphore(%run_scoped3A : memref<!tpu.dma_semaphore, #tpu.memory_space<semaphore_mem>>) src(%dma_wait3A_38 : memref<632x128xf32, #tpu.memory_space<vmem_shared>>) dst(%dma_wait3A_36 : memref<632x128xf32, #tpu.memory_space<hbm>>)
        tpu.yield
      }) : () -> ()
    } else {
    }
    return
  }
}

module attributes {stable_mosaic.version = 14 : i64} {
  func.func @_scale2_body(%arg0: i32, %arg1: memref<2000x128xf32, #tpu.memory_space<vmem>>, %arg2: memref<2000x128xf32, #tpu.memory_space<vmem>>, %arg3: memref<2000x1xf32, #tpu.memory_space<vmem>>, %arg4: memref<2000x1xf32, #tpu.memory_space<vmem>>, %arg5: memref<2000x128xf32, #tpu.memory_space<vmem>>, %arg6: memref<2000x128xf32, #tpu.memory_space<vmem>>) attributes {dimension_semantics = [#tpu.dimension_semantics<arbitrary>], iteration_bounds = array<i64: 5>, scalar_prefetch = 0 : i64, scratch_operands = 0 : i64, tpu.core_type = #tpu.core_type<tc>, window_params = [{transform_indices = @transform_0, window_bounds = array<i64: 2000, 128>}, {transform_indices = @transform_1, window_bounds = array<i64: 2000, 128>}, {transform_indices = @transform_2, window_bounds = array<i64: 2000, 1>}, {transform_indices = @transform_3, window_bounds = array<i64: 2000, 1>}, {transform_indices = @transform_4, window_bounds = array<i64: 2000, 128>}, {transform_indices = @transform_5, window_bounds = array<i64: 2000, 128>}]} {
    %get3A = arith.constant 0 : index
    %get3A_0 = arith.constant 0 : index
    %get3A_1 = vector.load %arg1[%get3A, %get3A_0] : memref<2000x128xf32, #tpu.memory_space<vmem>>, vector<2000x128xf32>
    %get3A_2 = arith.constant 0 : index
    %get3A_3 = arith.constant 0 : index
    %get3A_4 = vector.load %arg3[%get3A_2, %get3A_3] : memref<2000x1xf32, #tpu.memory_space<vmem>>, vector<2000x1xf32>
    %mul3A = vector.broadcast %get3A_4 : vector<2000x1xf32> to vector<2000x128xf32>
    %mul3A_5 = arith.mulf %get3A_1, %mul3A : vector<2000x128xf32>
    %swap3A = arith.constant 0 : index
    %swap3A_6 = arith.constant 0 : index
    %swap3A_7 = vector.load %arg5[%swap3A, %swap3A_6] : memref<2000x128xf32, #tpu.memory_space<vmem>>, vector<2000x128xf32>
    tpu.vector_store %arg5[%swap3A, %swap3A_6], %mul3A_5 {strides = array<i32>} : memref<2000x128xf32, #tpu.memory_space<vmem>>, vector<2000x128xf32>,
    %get3A_8 = arith.constant 0 : index
    %get3A_9 = arith.constant 0 : index
    %get3A_10 = vector.load %arg2[%get3A_8, %get3A_9] : memref<2000x128xf32, #tpu.memory_space<vmem>>, vector<2000x128xf32>
    %get3A_11 = arith.constant 0 : index
    %get3A_12 = arith.constant 0 : index
    %get3A_13 = vector.load %arg4[%get3A_11, %get3A_12] : memref<2000x1xf32, #tpu.memory_space<vmem>>, vector<2000x1xf32>
    %mul3A_14 = vector.broadcast %get3A_13 : vector<2000x1xf32> to vector<2000x128xf32>
    %mul3A_15 = arith.mulf %get3A_10, %mul3A_14 : vector<2000x128xf32>
    %swap3A_16 = arith.constant 0 : index
    %swap3A_17 = arith.constant 0 : index
    %swap3A_18 = vector.load %arg6[%swap3A_16, %swap3A_17] : memref<2000x128xf32, #tpu.memory_space<vmem>>, vector<2000x128xf32>
    tpu.vector_store %arg6[%swap3A_16, %swap3A_17], %mul3A_15 {strides = array<i32>} : memref<2000x128xf32, #tpu.memory_space<vmem>>, vector<2000x128xf32>,
    return
  }
  func.func @transform_0(%arg0: i32) -> (i32, i32) {
    %c0_i32 = arith.constant 0 : i32
    %c0_i32_0 = arith.constant 0 : i32
    return %arg0, %c0_i32 : i32, i32
  }
  func.func @transform_1(%arg0: i32) -> (i32, i32) {
    %c0_i32 = arith.constant 0 : i32
    %c0_i32_0 = arith.constant 0 : i32
    return %arg0, %c0_i32 : i32, i32
  }
  func.func @transform_2(%arg0: i32) -> (i32, i32) {
    %c0_i32 = arith.constant 0 : i32
    %c0_i32_0 = arith.constant 0 : i32
    return %arg0, %c0_i32 : i32, i32
  }
  func.func @transform_3(%arg0: i32) -> (i32, i32) {
    %c0_i32 = arith.constant 0 : i32
    %c0_i32_0 = arith.constant 0 : i32
    return %arg0, %c0_i32 : i32, i32
  }
  func.func @transform_4(%arg0: i32) -> (i32, i32) {
    %c0_i32 = arith.constant 0 : i32
    %c0_i32_0 = arith.constant 0 : i32
    return %arg0, %c0_i32 : i32, i32
  }
  func.func @transform_5(%arg0: i32) -> (i32, i32) {
    %c0_i32 = arith.constant 0 : i32
    %c0_i32_0 = arith.constant 0 : i32
    return %arg0, %c0_i32 : i32, i32
  }
}

module attributes {stable_mosaic.version = 14 : i64} {
  func.func @_fuse3_body(%arg0: i32, %arg1: memref<2000x128xf32, #tpu.memory_space<vmem>>, %arg2: memref<2000x128xf32, #tpu.memory_space<vmem>>, %arg3: memref<2000x128xf32, #tpu.memory_space<vmem>>, %arg4: memref<128x128xf32, #tpu.memory_space<vmem>>, %arg5: memref<128x128xf32, #tpu.memory_space<vmem>>, %arg6: memref<128x128xf32, #tpu.memory_space<vmem>>, %arg7: memref<2000x1xf32, #tpu.memory_space<vmem>>, %arg8: memref<2000x1xf32, #tpu.memory_space<vmem>>, %arg9: memref<1x128xf32, #tpu.memory_space<vmem>>, %arg10: memref<2000x128xf32, #tpu.memory_space<vmem>>) attributes {dimension_semantics = [#tpu.dimension_semantics<arbitrary>], iteration_bounds = array<i64: 5>, scalar_prefetch = 0 : i64, scratch_operands = 0 : i64, tpu.core_type = #tpu.core_type<tc>, window_params = [{transform_indices = @transform_0, window_bounds = array<i64: 2000, 128>}, {transform_indices = @transform_1, window_bounds = array<i64: 2000, 128>}, {transform_indices = @transform_2, window_bounds = array<i64: 2000, 128>}, {pipeline_mode = #tpu.pipeline_mode<synchronous>, transform_indices = @transform_3, window_bounds = array<i64: 128, 128>}, {pipeline_mode = #tpu.pipeline_mode<synchronous>, transform_indices = @transform_4, window_bounds = array<i64: 128, 128>}, {pipeline_mode = #tpu.pipeline_mode<synchronous>, transform_indices = @transform_5, window_bounds = array<i64: 128, 128>}, {transform_indices = @transform_6, window_bounds = array<i64: 2000, 1>}, {transform_indices = @transform_7, window_bounds = array<i64: 2000, 1>}, {pipeline_mode = #tpu.pipeline_mode<synchronous>, transform_indices = @transform_8, window_bounds = array<i64: 1, 128>}, {transform_indices = @transform_9, window_bounds = array<i64: 2000, 128>}]} {
    %get3A = arith.constant 0 : index
    %get3A_0 = arith.constant 0 : index
    %get3A_1 = vector.load %arg1[%get3A, %get3A_0] : memref<2000x128xf32, #tpu.memory_space<vmem>>, vector<2000x128xf32>
    %get3A_2 = arith.constant 0 : index
    %get3A_3 = arith.constant 0 : index
    %get3A_4 = vector.load %arg4[%get3A_2, %get3A_3] : memref<128x128xf32, #tpu.memory_space<vmem>>, vector<128x128xf32>
    %dot_general3A = arith.constant dense<0.000000e+00> : vector<2000x128xf32>
    %dot_general3A_5 = tpu.matmul %get3A_1, %get3A_4, %dot_general3A {dimension_numbers = #tpu.dot_dimension_numbers<[1], [0], [0], [1], [0, 0, 1, 1], [], []>, transpose_lhs_hint = false} : vector<2000x128xf32>, vector<128x128xf32>, vector<2000x128xf32> -> vector<2000x128xf32>
    %get3A_6 = arith.constant 0 : index
    %get3A_7 = arith.constant 0 : index
    %get3A_8 = vector.load %arg7[%get3A_6, %get3A_7] : memref<2000x1xf32, #tpu.memory_space<vmem>>, vector<2000x1xf32>
    %mul3A = vector.broadcast %get3A_8 : vector<2000x1xf32> to vector<2000x128xf32>
    %mul3A_9 = arith.mulf %dot_general3A_5, %mul3A : vector<2000x128xf32>
    %get3A_10 = arith.constant 0 : index
    %get3A_11 = arith.constant 0 : index
    %get3A_12 = vector.load %arg2[%get3A_10, %get3A_11] : memref<2000x128xf32, #tpu.memory_space<vmem>>, vector<2000x128xf32>
    %get3A_13 = arith.constant 0 : index
    %get3A_14 = arith.constant 0 : index
    %get3A_15 = vector.load %arg5[%get3A_13, %get3A_14] : memref<128x128xf32, #tpu.memory_space<vmem>>, vector<128x128xf32>
    %dot_general3A_16 = arith.constant dense<0.000000e+00> : vector<2000x128xf32>
    %dot_general3A_17 = tpu.matmul %get3A_12, %get3A_15, %dot_general3A_16 {dimension_numbers = #tpu.dot_dimension_numbers<[1], [0], [0], [1], [0, 0, 1, 1], [], []>, transpose_lhs_hint = false} : vector<2000x128xf32>, vector<128x128xf32>, vector<2000x128xf32> -> vector<2000x128xf32>
    %get3A_18 = arith.constant 0 : index
    %get3A_19 = arith.constant 0 : index
    %get3A_20 = vector.load %arg8[%get3A_18, %get3A_19] : memref<2000x1xf32, #tpu.memory_space<vmem>>, vector<2000x1xf32>
    %mul3A_21 = vector.broadcast %get3A_20 : vector<2000x1xf32> to vector<2000x128xf32>
    %mul3A_22 = arith.mulf %dot_general3A_17, %mul3A_21 : vector<2000x128xf32>
    %get3A_23 = arith.constant 0 : index
    %get3A_24 = arith.constant 0 : index
    %get3A_25 = vector.load %arg3[%get3A_23, %get3A_24] : memref<2000x128xf32, #tpu.memory_space<vmem>>, vector<2000x128xf32>
    %get3A_26 = arith.constant 0 : index
    %get3A_27 = arith.constant 0 : index
    %get3A_28 = vector.load %arg6[%get3A_26, %get3A_27] : memref<128x128xf32, #tpu.memory_space<vmem>>, vector<128x128xf32>
    %dot_general3A_29 = arith.constant dense<0.000000e+00> : vector<2000x128xf32>
    %dot_general3A_30 = tpu.matmul %get3A_25, %get3A_28, %dot_general3A_29 {dimension_numbers = #tpu.dot_dimension_numbers<[1], [0], [0], [1], [0, 0, 1, 1], [], []>, transpose_lhs_hint = false} : vector<2000x128xf32>, vector<128x128xf32>, vector<2000x128xf32> -> vector<2000x128xf32>
    %add3A = arith.addf %mul3A_9, %mul3A_22 : vector<2000x128xf32>
    %add3A_31 = arith.addf %add3A, %dot_general3A_30 : vector<2000x128xf32>
    %get3A_32 = arith.constant 0 : index
    %get3A_33 = arith.constant 0 : index
    %get3A_34 = vector.load %arg9[%get3A_32, %get3A_33] : memref<1x128xf32, #tpu.memory_space<vmem>>, vector<1x128xf32>
    %add3A_35 = vector.broadcast %get3A_34 : vector<1x128xf32> to vector<2000x128xf32>
    %add3A_36 = arith.addf %add3A_31, %add3A_35 : vector<2000x128xf32>
    %max3A = arith.constant 0.000000e+00 : f32
    %max3A_37 = vector.broadcast %max3A : f32 to vector<2000x128xf32>
    %max3A_38 = arith.maximumf %add3A_36, %max3A_37 : vector<2000x128xf32>
    %swap3A = arith.constant 0 : index
    %swap3A_39 = arith.constant 0 : index
    %swap3A_40 = vector.load %arg10[%swap3A, %swap3A_39] : memref<2000x128xf32, #tpu.memory_space<vmem>>, vector<2000x128xf32>
    tpu.vector_store %arg10[%swap3A, %swap3A_39], %max3A_38 {strides = array<i32>} : memref<2000x128xf32, #tpu.memory_space<vmem>>, vector<2000x128xf32>,
    return
  }
  func.func @transform_0(%arg0: i32) -> (i32, i32) {
    %c0_i32 = arith.constant 0 : i32
    %c0_i32_0 = arith.constant 0 : i32
    return %arg0, %c0_i32 : i32, i32
  }
  func.func @transform_1(%arg0: i32) -> (i32, i32) {
    %c0_i32 = arith.constant 0 : i32
    %c0_i32_0 = arith.constant 0 : i32
    return %arg0, %c0_i32 : i32, i32
  }
  func.func @transform_2(%arg0: i32) -> (i32, i32) {
    %c0_i32 = arith.constant 0 : i32
    %c0_i32_0 = arith.constant 0 : i32
    return %arg0, %c0_i32 : i32, i32
  }
  func.func @transform_3(%arg0: i32) -> (i32, i32) {
    %c0_i32 = arith.constant 0 : i32
    %c0_i32_0 = arith.constant 0 : i32
    %c0_i32_1 = arith.constant 0 : i32
    return %c0_i32, %c0_i32_0 : i32, i32
  }
  func.func @transform_4(%arg0: i32) -> (i32, i32) {
    %c0_i32 = arith.constant 0 : i32
    %c0_i32_0 = arith.constant 0 : i32
    %c0_i32_1 = arith.constant 0 : i32
    return %c0_i32, %c0_i32_0 : i32, i32
  }
  func.func @transform_5(%arg0: i32) -> (i32, i32) {
    %c0_i32 = arith.constant 0 : i32
    %c0_i32_0 = arith.constant 0 : i32
    %c0_i32_1 = arith.constant 0 : i32
    return %c0_i32, %c0_i32_0 : i32, i32
  }
  func.func @transform_6(%arg0: i32) -> (i32, i32) {
    %c0_i32 = arith.constant 0 : i32
    %c0_i32_0 = arith.constant 0 : i32
    return %arg0, %c0_i32 : i32, i32
  }
  func.func @transform_7(%arg0: i32) -> (i32, i32) {
    %c0_i32 = arith.constant 0 : i32
    %c0_i32_0 = arith.constant 0 : i32
    return %arg0, %c0_i32 : i32, i32
  }
  func.func @transform_8(%arg0: i32) -> (i32, i32) {
    %c0_i32 = arith.constant 0 : i32
    %c0_i32_0 = arith.constant 0 : i32
    %c0_i32_1 = arith.constant 0 : i32
    return %c0_i32, %c0_i32_0 : i32, i32
  }
  func.func @transform_9(%arg0: i32) -> (i32, i32) {
    %c0_i32 = arith.constant 0 : i32
    %c0_i32_0 = arith.constant 0 : i32
    return %arg0, %c0_i32 : i32, i32
  }
}

</mosaic_0001>

<sc_bundles>
// kernel: kernel.5.cloned.1.call-start
scs
__scs_entry_jumppad:
0x0: {  	(pc) =	sbr.rel $0x88, $3  }
0x1: {  	(tag) =	ssettag $0x0;
	lr =	simm.s32 $0x1  }
0x2: {  	[smem:$0x3F94] =	sst lr;
	_ =	strace $0xD0000000  }
0x3: {  	_ = 	snop  }
0x4: {  	_ = 	snop  }
0x5: {  	_ = 	snop  }
0x6: {  	_ = 	snop  }
0x7: {  	_ = 	snop  }
__scs_overlays_trampoline_lowered:
0x8: {  	[smem:$0x3FA3] =	sst s0  }
0x9: {  	[smem:$0x3FA4] =	sst s1  }
0xa: {  	[smem:$0x3FA5] =	sst s2  }
0xb: {  	[smem:$0x3FA6] =	sst s3  }
0xc: {  	[smem:$0x3FA7] =	sst s4  }
0xd: {  	[smem:$0x3FA8] =	sst s5  }
0xe: {  	[smem:$0x3FA9] =	sst s6  }
0xf: {  	[smem:$0x3FAA] =	sst s7  }
0x10: {  	[smem:$0x3FAB] =	sst s8  }
0x11: {  	[smem:$0x3FAC] =	sst s9;
	s0 =	simm.s32 @!p0 $0x0  }
0x12: {  	s1 =	sld [smem:$0x3F92];
	s0 =	simm.s32 @p0 $0x1  }
0x13: {  	[smem:$0x3FAD] =	sst s0;
	s0 =	simm.s32 @!p1 $0x0  }
0x14: {  	s2 =	sld [smem:$0x3F91];
	s0 =	simm.s32 @p1 $0x1  }
0x15: {  	[smem:$0x3FAE] =	sst s0;
	s0 =	simm.s32 @!p2 $0x0  }
0x16: {  	s3 =	sld [smem:$0x3FDB];
	s0 =	simm.s32 @p2 $0x1  }
0x17: {  	s4 =	simm.s32 $0x1BF5;
	[smem:$0x3FB0] =	sst s0  }
0x18: {  	s0 =	sld [smem:$0x3F93];
	_ =	swait.ge [sflag:s4], $0x0  }
0x19: {  	s7 =	sld [smem:$0x3F94]  }
0x1a: {  	s8 =	sadd.s32 $0xFFFFE003, lr  }
0x1b: {  	s9 =	sadd.s32 $0xFFFFFEF7, lr;
	s5 =	simm.s32 $0xFFFFFFFF;
	p2 =	slt.u32 s8, $0xFFFFF086  }
0x1c: {  	p1 =	slt.u32 s9, $0xF7A;
	s5 =	simm.s32 @!p2 $0x0  }
0x1d: {  	s5 =	simm.s32 @p1 $0x1;
	p0 =	seq.s32 s7, s2  }
0x1e: {  	s7 =	smul.u32 @!p0 $0xF7A, s2;
	p2 =	seq.s32 @!p0 s5, $0x0  }
0x1f: {  	s9 =	smul.u32 $0xF7A, s1;
	s8 =	simm.s32 @!p0 $0x1BF5;
	p2 =	por !p2, p0  }
0x20: {  	[sflag:s8] =	ssyncset.s32 @!p0 $0xFFFFF086;
	s6 =	sadd.s32 @!p0 s3, s7;
	s7 =	simm.s32 @!p0 $0x108  }
0x21: {  	s3 =	sadd.s32 s3, s9;
	s6 =	sadd.s32 @!p0 $0x88, s6;
	s7 =	simm.s32 @p2 $0x1082  }
0x22: {  	[simem:s7], [sflag:s8] =	dma.local @!p0 [hbm:s6], $0xF7A  }
0x23: {  	s9 =	sor.u32 $0xD0000000, s2;
	s6 =	simm.s32 $0x108;
	_ =	swait.ge @!p0 [sflag:s8], $0x0  }
0x24: {  	s3 =	sadd.s32 $0x88, s3;
	s6 =	simm.s32 @!p1 $0x1082;
	[sflag:s4] =	ssyncset.s32 $0xFFFFF086  }
0x25: {  	[simem:s6], [sflag:s4] =	dma.local [hbm:s3], $0xF7A  }
0x26: {  	[smem:$0x3F94] =	sst s1;
	(tag) =	ssettag s2;
	_ =	strace s9  }
0x27: {  	s1 =	sld [smem:$0x3FA4]  }
0x28: {  	s2 =	sld [smem:$0x3FA5]  }
0x29: {  	s4 =	sld [smem:$0x3FA7]  }
0x2a: {  	p0 =	seq.s32 s5, $0x0;
	s5 =	sld [smem:$0x3FA8]  }
0x2b: {  	s6 =	sld [smem:$0x3FA9]  }
0x2c: {  	s7 =	sld [smem:$0x3FAA]  }
0x2d: {  	s3 =	simm.s32 $0x108;
	s8 =	sld [smem:$0x3FAB]  }
0x2e: {  	s3 =	simm.s32 @!p0 $0x1082;
	s9 =	sld [smem:$0x3FAC]  }
0x2f: {  	lr =	sadd.s32 s0, s3;
	s0 =	sld [smem:$0x3FA3]  }
0x30: {  	s3 =	sld [smem:$0x3FA6]  }
0x31: {  	[smem:$0x3FAF] =	sst s10  }
0x32: {  	s10 =	sld [smem:$0x3FAD];
	_ =	sdelay $0x3  }
0x33: {  	p0 =	seq.s32 s10, $0x1;
	s10 =	sld [smem:$0x3FAF];
	_ =	sdelay $0x3  }
0x34: {  	[smem:$0x3FAF] =	sst s10  }
0x35: {  	s10 =	sld [smem:$0x3FAE];
	_ =	sdelay $0x3  }
0x36: {  	p1 =	seq.s32 s10, $0x1;
	s10 =	sld [smem:$0x3FAF];
	_ =	sdelay $0x3  }
0x37: {  	[smem:$0x3FAF] =	sst s10  }
0x38: {  	s10 =	sld [smem:$0x3FB0]  }
0x39: {  	_ = 	snop;
	(pc) =	sbr.ind lr, $3  }
0x3a: {  	_ = 	snop  }
0x3b: {  	_ = 	snop  }
0x3c: {  	p2 =	seq.s32 s10, $0x1;
	s10 =	sld [smem:$0x3FAF]  }
0x3d: {  	_ =	shalt  }
0x3e: {  	_ =	shalt  }
0x3f: {  	_ =	shalt  }
0x40: {  	_ =	shalt  }
0x41: {  	_ =	shalt  }
0x42: {  	_ =	shalt  }
0x43: {  	_ =	shalt  }
0x44: {  	_ =	shalt  }
0x45: {  	_ =	shalt  }
0x46: {  	_ =	shalt  }
0x47: {  	_ =	shalt  }
0x48: {  	_ =	shalt  }
0x49: {  	_ =	shalt  }
0x4a: {  	_ =	shalt  }
0x4b: {  	_ =	shalt  }
0x4c: {  	_ =	shalt  }
0x4d: {  	_ =	shalt  }
0x4e: {  	_ =	shalt  }
0x4f: {  	_ =	shalt  }
0x50: {  	_ =	shalt  }
0x51: {  	_ =	shalt  }
0x52: {  	_ =	shalt  }
0x53: {  	_ =	shalt  }
0x54: {  	_ =	shalt  }
0x55: {  	_ =	shalt  }
0x56: {  	_ =	shalt  }
0x57: {  	_ =	shalt  }
0x58: {  	_ =	shalt  }
0x59: {  	_ =	shalt  }
0x5a: {  	_ =	shalt  }
0x5b: {  	_ =	shalt  }
0x5c: {  	_ =	shalt  }
0x5d: {  	_ =	shalt  }
0x5e: {  	_ =	shalt  }
0x5f: {  	_ =	shalt  }
0x60: {  	_ =	shalt  }
0x61: {  	_ =	shalt  }
0x62: {  	_ =	shalt  }
0x63: {  	_ =	shalt  }
0x64: {  	_ =	shalt  }
0x65: {  	_ =	shalt  }
0x66: {  	_ =	shalt  }
0x67: {  	_ =	shalt  }
0x68: {  	_ =	shalt  }
0x69: {  	_ =	shalt  }
0x6a: {  	_ =	shalt  }
0x6b: {  	_ =	shalt  }
0x6c: {  	_ =	shalt  }
0x6d: {  	_ =	shalt  }
0x6e: {  	_ =	shalt  }
0x6f: {  	_ =	shalt  }
0x70: {  	_ =	shalt  }
0x71: {  	_ =	shalt  }
0x72: {  	_ =	shalt  }
0x73: {  	_ =	shalt  }
0x74: {  	_ =	shalt  }
0x75: {  	_ =	shalt  }
0x76: {  	_ =	shalt  }
0x77: {  	_ =	shalt  }
0x78: {  	_ =	shalt  }
0x79: {  	_ =	shalt  }
0x7a: {  	_ =	shalt  }
0x7b: {  	_ =	shalt  }
0x7c: {  	_ =	shalt  }
0x7d: {  	_ =	shalt  }
0x7e: {  	_ =	shalt  }
0x7f: {  	_ =	shalt  }
0x80: {  	_ =	shalt  }
0x81: {  	_ =	shalt  }
0x82: {  	_ =	shalt  }
0x83: {  	_ =	shalt  }
0x84: {  	_ =	shalt  }
0x85: {  	_ =	shalt  }
0x86: {  	_ =	shalt  }
0x87: {  	_ =	shalt  }
.Lfunc_end0:
.L_simem_size_0:
called_computation_lowered:
.L_overlay_start_0:
0x88: {  	s2 =	sld [smem:$0x3FD9]  }
0x89: {  	s3 =	sld [smem:$0x3FFE];
	_ =	sdelay $0x1  }
0x8a: {  	s1 =	srdreg.scid  }
0x8b: {  	s0 =	sand.u32 $0x1, s1  }
0x8c: {  	s16 =	sshll.u32 s0, $0xA;
	s2 =	sadd.s32 s3, s2  }
0x8d: {  	s2 =	sadd.s32 s2, s16  }
0x8e: {  	[smem:$0x3FBB] =	sst s2  }
0x8f: {  	_ = 	snop  }
0x90: {  	(tm) =	ssettm $0x1  }
0x91: {  	s17 =	sld [smem:$0x3FFB];
	_ =	sdelay $0x3  }
0x92: {  	_ =	strace s17  }
0x93: {  	s2 =	sld [smem:$0x3FFC];
	_ =	sdelay $0x3  }
0x94: {  	_ =	strace s2  }
0x95: {  	s2 =	sld [smem:$0x3FFD];
	_ =	sdelay $0x3  }
0x96: {  	_ =	strace s2  }
0x97: {  	_ =	strace $0x8FFFFFFF  }
0x98: {  	s18 =	sld [smem:$0x3FDB];
	_ =	sdelay $0x1  }
0x99: {  	s19 =	simm.s32 $_scs_section_size  }
0x9a: {  	s4 =	simm.s32 $_size__tile_overlayer_lowered;
	s5 =	simm.s32 $_tile_overlayer_lowered  }
0x9b: {  	s22 =	simm.s32 $0x1BFF;
	s21 =	sshll.u32 s5, $0x1;
	s2 =	sadd.s32 s19, s18  }
0x9c: {  	s6 =	simm.s32 $0x0;
	s20 =	sshll.u32 s4, $0x1;
	s4 =	sadd.s32 s21, s2  }
0x9d: {  	[timem:s6], [sflag:s22] =	dma.local [hbm:s4], s20  }
0x9e: {  	_ =	swait.ge [sflag:s22], s20  }
0x9f: {  	s3 =	ssub.s32 $0x0, s20;
	[sflag:s22] =	ssyncset.done $0x0  }
0xa0: {  	[sflag:s22] =	ssyncadd.s32 s3;
	_ =	sdelay $0x1  }
0xa1: {  	s23 =	simm.s32 $0x1B8B  }
0xa2: {  	_ =	swait.ge [sflag:s23], $0x1  }
0xa3: {  	[sflag:s23] =	ssyncset.done $0x0  }
0xa4: {  	s25 =	simm.s32 $0x1B8E;
	s24 =	sld [smem:$0x3FFE];
	[sflag:s23] =	ssyncadd.s32 $0xFFFFFFFF  }
0xa5: {  	s26 =	simm.s32 $execute0_lowered;
	[smem:$0x3FD2] =	sst s25  }
0xa6: {  	s4 =	sshll.u32 s26, $0x1;
	_ =	strace $0x80000046;
	[dreg:$0x1] =	wrdreg $0xFFFFFFFF  }
0xa7: {  	s28 =	simm.s32 $_size_execute0_lowered;
	s2 =	sadd.s32 s2, s4;
	[dreg:$0x0] =	wrdreg $0x0  }
0xa8: {  	s4 =	sshll.u32 s28, $0x1;
	[dreg:$0x2] =	wrdreg s2  }
0xa9: {  	[dreg:$0x3] =	wrdreg s4  }
0xaa: {  	[dreg:$0x4] =	wrdreg $0xC0  }
0xab: {  	_ =	task [dreg:s6], $0x5FFFF  }
0xac: {  	[dreg:$0x1] =	wrdreg $0xFFFFFFFF  }
0xad: {  	[dreg:$0x0] =	wrdreg $0x60  }
0xae: {  	[dreg:$0x2] =	wrdreg s24  }
0xaf: {  	[dreg:$0x3] =	wrdreg $0x82000  }
0xb0: {  	[dreg:$0x4] =	wrdreg $0x9  }
0xb1: {  	_ =	task.clear_ibuf [dreg:s6], $0x5FFFF;
	_ =	strace $0x90000046  }
0xb2: {  	s29 =	simm.s32 $0x9;
	_ =	strace $0x80000048  }
0xb3: {  	_ =	swait.ge [sflag:s29], $0x1  }
0xb4: {  	[sflag:s29] =	ssyncadd.s32 $0xFFFFFFFF  }
0xb5: {  	_ =	strace $0x90000048  }
0xb6: {  	_ =	sfence  }
0xb7: {  	s30 =	sld [smem:$0x0];
	_ =	sdelay $0x2  }
0xb8: {  	s31 =	sshll.u32 s1, $0xD;
	s1 =	sshrl.u32 s1, $0x2  }
0xb9: {  	s3 =	sand.u32 $0x4000, s31;
	s1 =	sadd.s32 s1, s30  }
0xba: {  	s0 =	sor.u32 s3, s0;
	s1 =	sshll.u32 s1, $0x11  }
0xbb: {  	s0 =	sor.u32 s1, s0  }
0xbc: {  	s0 =	sadd.s32 $0x8F2B, s0  }
0xbd: {  	[sflag:s0] =	ssyncadd.remote.s32 $0x1  }
0xbe: {  	_ =	sfence.sel $0xFFFF  }
0xbf: {  	[dreg:$0x0] =	wrdreg $0xFFFFFFFF;
	(pc) =	sbr.abs _section_cstart, $3  }
0xc0: {  	[dreg:$0x1] =	wrdreg $0xFFFFFFFF  }
0xc1: {  	_ =	task.clear_ibuf [dreg:s6], $0x2FFFF;
	_ =	strace $0x9FFFFFFF  }
0xc2: {  	(tm) =	ssettm $0x7FFFFFFF  }
0xc3: {  	_ =	shalt  }
tec
execute0_lowered:
.L_overlay_start_1:
0x0: {  	(tag) =	ssettag $0x1  }
0x1: {  	s7 =	rddreg [dreg:$0x0]  }
0x2: {  	s2 =	rddreg [dreg:$0x1]  }
0x3: {  	s0 =	rddreg [dreg:$0x2];
	s3 =	simm.s32 $0x0  }
0x4: {  	s1 =	stileid.u32;
	s5 =	srdreg.scid;
	s16 =	simm.s32 $0x2  }
0x5: {  	s17 =	simm.s32 $0x100;
	s18 =	simm.s32 $0x1;
	s21 =	simm.s32 $0x0  }
0x6: {  	[smem:$0x7FF] =	sst s3;
	s6 =	smul.u32 $0x13C0, s1;
	s4 =	sadd.s32 $0x51800, s7  }
0x7: {  	s15 =	sand.u32 $0x1, s5;
	s8 =	smul.u32 $0x4F000, s1;
	s5 =	sadd.s32 $0x78A00, s7  }
0x8: {  	s11 =	smul.u32 $0x2780, s1;
	s19 =	sshll.u32 s1, $0x6;
	_ =	strace $0x80000047  }
0x9: {  	s9 =	ssub.s32 $0x2, s15;
	p0 =	sne.s32 s15, $0x0;
	s15 =	simm.s32 $0x200  }
.Ltmp0:
0xa: {  	s19 =	sor.u32 $0x1C02, s19;
	s14 =	sadd.s32 s6, s7;
	(pc) =	sbr.rel .LBB2_1-.Ltmp0, $4  }
0xb: {  	s6 =	sadd.s32 $0x9FC00, s7;
	s10 =	sshrl.u32 s9, $0x1;
	s8 =	sshrl.u32 s8, $0x2  }
0xc: {  	s7 =	sadd.s32 $0xC7400, s7;
	s12 =	ssub.s32 s9, s10;
	s8 =	sadd.s32 s8, s2  }
0xd: {  	s13 =	sadd.s32 $0x3DC00, s14;
	s14 =	sadd.s32 $0x2A000, s14;
	s9 =	sadd.s32 $0x8000, s8  }
0xe: {  	v0 =	vimm.f32 $0.0e+00;
	s10 =	sadd.s32 $0x10000, s8;
	s12 =	smax.u32 s12, $0x1;
	s20 =	sshrl.u32 s8, $0x3  }
.LBB2_9:
0xf: {  	s22 =	sadd.s32 s22, s13;
	[sflag:s16] =	ssyncadd.s32 $0xFFFF8000  }
0x10: {  	[tilespmem:s3], [sflag:$0x2] =	stream.linear.gather [hbm4b:s22+s3], $0x200, $0x38;
	[tilespmem:$0x1BE00] =	vst v63  }
0x11: {  	_ =	swait.ge [sflag:s16], $0x200  }
0x12: {  	[sflag:s16] =	ssyncset.done $0x0  }
0x13: {  	[sflag:s16] =	ssyncadd.s32 $0xFFFFFE00  }
0x14: {  	[tilespmem:s15], [sflag:$0x1] =	stream.indirect.gather [hbm4b:s5+s17], $0x80, s17, s17, $0xb8;
	[tilespmem:$0x1BE00] =	vst v63  }
0x15: {  	_ =	swait.ge [sflag:s18], $0x8000  }
0x16: {  	[sflag:s18] =	ssyncset.done $0x0  }
0x17: {  	[sflag:s18] =	ssyncadd.s32 $0xFFFF8000  }
0x18: {  	[spmem:s2] =	stream.indirect.scatter.add.f32 [tilespmem:s15], [sflag:$0x2], $0x80, s3, s17, $0xb8;
	[tilespmem:$0x1BE00] =	vst v63  }
0x19: {  	_ =	swait.ge [sflag:s16], $0x8000  }
0x1a: {  	[sflag:s16] =	ssyncset.done $0x0  }
0x1b: {  	s22 =	smov.u32 s7;
	[sflag:s16] =	ssyncadd.s32 $0xFFFF8000  }
.LBB2_10:
0x1c: {  	s21 =	sadd.s32 $0x1, s21  }
0x1d: {  	p1 =	sne.s32 s21, s12  }
.Ltmp1:
0x1e: {  	s22 =	sadd.s32 s22, s11;
	[bflag:$0x0] =	sbarrier.arrive $0xFFFF;
	(pc) =	sbr.rel @!p1 .LBB2_11-.Ltmp1, $4  }
0x1f: {  	[hbm:s22], [sflag:s19] =	dma.local [spmem:s20], $0x2780  }
0x20: {  	_ =	swait.ge [sflag:s16], $0x2780  }
0x21: {  	[sflag:s16] =	ssyncset.done $0x0  }
0x22: {  	[sflag:s16] =	ssyncadd.s32 $0xFFFFD880  }
.LBB2_1:
0x23: {  	s22 =	simm.s32 $0x0;
	s23 =	simm.s32 $0x200  }
.LBB2_2:
0x24: {  	p1 =	sne.s32 s23, $0x1FE00;
	[tilespmem:s22+$0x270] =	vst v0  }
0x25: {  	[tilespmem:s22+$0x200] =	vst v0  }
0x26: {  	[tilespmem:s22+$0x210] =	vst v0  }
.Ltmp2:
0x27: {  	[tilespmem:s22+$0x220] =	vst v0;
	(pc) =	sbr.rel @p1 .LBB2_2-.Ltmp2, $4  }
0x28: {  	[tilespmem:s22+$0x230] =	vst v0  }
0x29: {  	[tilespmem:s22+$0x240] =	vst v0  }
0x2a: {  	[tilespmem:s22+$0x250] =	vst v0  }
0x2b: {  	[tilespmem:s22+$0x260] =	vst v0;
	s22 =	sshra.s32 s23, $0x2;
	s23 =	sadd.s32 $0x200, s23  }
0x2c: {  	[tilespmem:s22+$0x270] =	vst v0  }
0x2d: {  	[tilespmem:s22+$0x200] =	vst v0  }
0x2e: {  	[tilespmem:s22+$0x210] =	vst v0  }
0x2f: {  	[tilespmem:s22+$0x220] =	vst v0  }
0x30: {  	[tilespmem:s22+$0x230] =	vst v0  }
0x31: {  	[tilespmem:s22+$0x240] =	vst v0  }
0x32: {  	[tilespmem:s22+$0x250] =	vst v0  }
0x33: {  	[tilespmem:s22+$0x260] =	vst v0  }
0x34: {  	[spmem:s8] =	stream.linear.scatter [tilespmem:s15], [sflag:$0x2], $0x8000, $0x38;
	[tilespmem:$0x1BE00] =	vst v63  }
0x35: {  	_ =	swait.ge [sflag:s16], $0x8000  }
0x36: {  	[sflag:s16] =	ssyncset.done $0x0  }
0x37: {  	[sflag:s16] =	ssyncadd.s32 $0xFFFF8000  }
0x38: {  	[spmem:s9] =	stream.linear.scatter [tilespmem:s15], [sflag:$0x2], $0x8000, $0x38;
	[tilespmem:$0x1BE00] =	vst v63  }
0x39: {  	_ =	swait.ge [sflag:s16], $0x8000  }
0x3a: {  	[sflag:s16] =	ssyncset.done $0x0  }
0x3b: {  	[sflag:s16] =	ssyncadd.s32 $0xFFFF8000  }
0x3c: {  	[spmem:s10] =	stream.linear.scatter [tilespmem:s15], [sflag:$0x2], $0x3C00, $0x38;
	[tilespmem:$0x1BE00] =	vst v63  }
.Ltmp3:
0x3d: {  	_ =	swait.ge [sflag:s16], $0x3C00;
	(pc) =	sbr.rel @p0 .LBB2_7-.Ltmp3, $3  }
0x3e: {  	[sflag:s16] =	ssyncset.done $0x0  }
0x3f: {  	[sflag:s16] =	ssyncadd.s32 $0xFFFFC400  }
0x40: {  	[bflag:$0x0] =	sbarrier.arrive $0xFFFF;
	_ =	sdelay $0x1  }
0x41: {  	s22 =	sadd.s32 $0x0, s14  }
0x42: {  	[tilespmem:s3], [sflag:$0x2] =	stream.linear.gather [hbm4b:s22+s3], $0x200, $0x38;
	[tilespmem:$0x1BE00] =	vst v63  }
0x43: {  	_ =	swait.ge [sflag:s16], $0x200  }
0x44: {  	[sflag:s16] =	ssyncset.done $0x0  }
0x45: {  	[sflag:s16] =	ssyncadd.s32 $0xFFFFFE00  }
0x46: {  	[tilespmem:s15], [sflag:$0x1] =	stream.indirect.gather [hbm4b:s4+s17], $0x80, s17, s17, $0xb8;
	[tilespmem:$0x1BE00] =	vst v63  }
0x47: {  	_ =	swait.ge [sflag:s18], $0x8000  }
0x48: {  	[sflag:s18] =	ssyncset.done $0x0  }
0x49: {  	[sflag:s18] =	ssyncadd.s32 $0xFFFF8000  }
0x4a: {  	[spmem:s2] =	stream.indirect.scatter.add.f32 [tilespmem:s15], [sflag:$0x2], $0x80, s3, s17, $0xb8;
	[tilespmem:$0x1BE00] =	vst v63  }
0x4b: {  	_ =	swait.ge [sflag:s16], $0x8000  }
0x4c: {  	s23 =	simm.s32 $0x80;
	s22 =	simm.s32 $0x40;
	[sflag:s16] =	ssyncset.done $0x0  }
.LBB2_5:
0x4d: {  	s24 =	sadd.s32 s22, s14  }
0x4e: {  	[sflag:s16] =	ssyncadd.s32 $0xFFFF8000;
	s22 =	smov.u32 s23;
	s25 =	sadd.s32 $0x40, s23  }
0x4f: {  	[tilespmem:s3], [sflag:$0x2] =	stream.linear.gather [hbm4b:s24+s3], $0x200, $0x38;
	[tilespmem:$0x1BE00] =	vst v63  }
0x50: {  	p1 =	seq.s32 s23, $0x1380;
	_ =	swait.ge [sflag:s16], $0x200  }
0x51: {  	[sflag:s16] =	ssyncset.done $0x0  }
0x52: {  	[sflag:s16] =	ssyncadd.s32 $0xFFFFFE00  }
0x53: {  	[tilespmem:s15], [sflag:$0x1] =	stream.indirect.gather [hbm4b:s4+s17], $0x80, s17, s17, $0xb8;
	[tilespmem:$0x1BE00] =	vst v63  }
0x54: {  	_ =	swait.ge [sflag:s18], $0x8000  }
.Ltmp4:
0x55: {  	[sflag:s18] =	ssyncset.done $0x0;
	(pc) =	sbr.rel @!p1 .LBB2_5-.Ltmp4, $4  }
0x56: {  	[sflag:s18] =	ssyncadd.s32 $0xFFFF8000  }
0x57: {  	[spmem:s2] =	stream.indirect.scatter.add.f32 [tilespmem:s15], [sflag:$0x2], $0x80, s3, s17, $0xb8;
	[tilespmem:$0x1BE00] =	vst v63  }
0x58: {  	_ =	swait.ge [sflag:s16], $0x8000  }
0x59: {  	s23 =	smov.u32 s25;
	[sflag:s16] =	ssyncset.done $0x0  }
0x5a: {  	s22 =	sadd.s32 s22, s14;
	[sflag:s16] =	ssyncadd.s32 $0xFFFF8000  }
0x5b: {  	[tilespmem:s3], [sflag:$0x2] =	stream.linear.gather [hbm4b:s22+s3], $0x200, $0x38;
	[tilespmem:$0x1BE00] =	vst v63  }
0x5c: {  	_ =	swait.ge [sflag:s16], $0x200  }
0x5d: {  	[sflag:s16] =	ssyncset.done $0x0  }
0x5e: {  	[sflag:s16] =	ssyncadd.s32 $0xFFFFFE00  }
0x5f: {  	[tilespmem:s15], [sflag:$0x1] =	stream.indirect.gather [hbm4b:s4+s17], $0x80, s17, s17, $0xb8;
	[tilespmem:$0x1BE00] =	vst v63  }
0x60: {  	_ =	swait.ge [sflag:s18], $0x8000  }
0x61: {  	[sflag:s18] =	ssyncset.done $0x0  }
.Ltmp5:
0x62: {  	[sflag:s18] =	ssyncadd.s32 $0xFFFF8000;
	(pc) =	sbr.rel .LBB2_10-.Ltmp5, $4  }
0x63: {  	[spmem:s2] =	stream.indirect.scatter.add.f32 [tilespmem:s15], [sflag:$0x2], $0x80, s3, s17, $0xb8;
	[tilespmem:$0x1BE00] =	vst v63  }
0x64: {  	_ =	swait.ge [sflag:s16], $0x8000  }
0x65: {  	[sflag:s16] =	ssyncset.done $0x0  }
0x66: {  	s22 =	smov.u32 s6;
	[sflag:s16] =	ssyncadd.s32 $0xFFFF8000  }
.LBB2_7:
0x67: {  	s22 =	sadd.s32 $0x0, s13  }
0x68: {  	[tilespmem:s3], [sflag:$0x2] =	stream.linear.gather [hbm4b:s22+s3], $0x200, $0x38;
	[tilespmem:$0x1BE00] =	vst v63  }
0x69: {  	_ =	swait.ge [sflag:s16], $0x200  }
0x6a: {  	[sflag:s16] =	ssyncset.done $0x0  }
0x6b: {  	[sflag:s16] =	ssyncadd.s32 $0xFFFFFE00  }
0x6c: {  	[tilespmem:s15], [sflag:$0x1] =	stream.indirect.gather [hbm4b:s5+s17], $0x80, s17, s17, $0xb8;
	[tilespmem:$0x1BE00] =	vst v63  }
0x6d: {  	_ =	swait.ge [sflag:s18], $0x8000  }
0x6e: {  	[sflag:s18] =	ssyncset.done $0x0  }
0x6f: {  	[sflag:s18] =	ssyncadd.s32 $0xFFFF8000  }
0x70: {  	[spmem:s2] =	stream.indirect.scatter.add.f32 [tilespmem:s15], [sflag:$0x2], $0x80, s3, s17, $0xb8;
	[tilespmem:$0x1BE00] =	vst v63  }
0x71: {  	_ =	swait.ge [sflag:s16], $0x8000  }
0x72: {  	s23 =	simm.s32 $0x80;
	s22 =	simm.s32 $0x40;
	[sflag:s16] =	ssyncset.done $0x0  }
.LBB2_8:
0x73: {  	s24 =	sadd.s32 s22, s13  }
0x74: {  	[sflag:s16] =	ssyncadd.s32 $0xFFFF8000;
	s22 =	smov.u32 s23;
	s25 =	sadd.s32 $0x40, s23  }
0x75: {  	[tilespmem:s3], [sflag:$0x2] =	stream.linear.gather [hbm4b:s24+s3], $0x200, $0x38;
	[tilespmem:$0x1BE00] =	vst v63  }
0x76: {  	p1 =	sne.s32 s23, $0x1380;
	_ =	swait.ge [sflag:s16], $0x200  }
0x77: {  	[sflag:s16] =	ssyncset.done $0x0  }
0x78: {  	[sflag:s16] =	ssyncadd.s32 $0xFFFFFE00  }
0x79: {  	[tilespmem:s15], [sflag:$0x1] =	stream.indirect.gather [hbm4b:s5+s17], $0x80, s17, s17, $0xb8;
	[tilespmem:$0x1BE00] =	vst v63  }
0x7a: {  	_ =	swait.ge [sflag:s18], $0x8000  }
.Ltmp6:
0x7b: {  	[sflag:s18] =	ssyncset.done $0x0;
	(pc) =	sbr.rel @p1 .LBB2_8-.Ltmp6, $4  }
0x7c: {  	[sflag:s18] =	ssyncadd.s32 $0xFFFF8000  }
0x7d: {  	[spmem:s2] =	stream.indirect.scatter.add.f32 [tilespmem:s15], [sflag:$0x2], $0x80, s3, s17, $0xb8;
	[tilespmem:$0x1BE00] =	vst v63  }
0x7e: {  	_ =	swait.ge [sflag:s16], $0x8000  }
0x7f: {  	s23 =	smov.u32 s25;
	[sflag:s16] =	ssyncset.done $0x0  }
.Ltmp7:
0x80: {  	_ = 	snop;
	(pc) =	sbr.rel .LBB2_9-.Ltmp7, $1  }
0x81: {  	_ =	sdelay $0x3  }
.LBB2_11:
0x82: {  	_ =	sfence.sel $0x180000  }
0x83: {  	[bflag:$0x0] =	sbarrier.arrive $0xFFFF  }
0x84: {  	p0 =	sne.s32 s1, $0x0;
	_ =	strace $0x90000047  }
0x85: {  	s0 =	sadd.s32 @!p0 $0x100000, s0;
	[bflag:$0x2] =	sbarrier.arrive $0xFFFF  }
0x86: {  	[sflag:s0] =	ssyncadd.tile.s32 @!p0 $0x1;
	_ =	shalt  }
.Lfunc_end2:
_tile_overlayer_lowered:
.L_overlay_start_2:
0x87: {  	(tag) =	ssettag $0x2  }
0x88: {  	s0 =	rddreg [dreg:$0x0];
	s2 =	stileid.u32  }
0x89: {  	s1 =	rddreg [dreg:$0x1];
	p0 =	sne.s32 s2, $0x0  }
0x8a: {  	s3 =	rddreg [dreg:$0x2];
	[bflag:$0x3] =	sbarrier.arrive $0xFFFF;
	s2 =	simm.s32 @!p0 $0x1C02  }
0x8b: {  	[timem:s3], [sflag:s2] =	dma.local @!p0 [hbm:s0], s1  }
0x8c: {  	s0 =	simm.s32 @!p0 $0x2  }
0x8d: {  	_ =	swait.ge @!p0 [sflag:s0], s1  }
0x8e: {  	s1 =	ssub.s32 @!p0 $0x0, s1;
	[sflag:s0] =	ssyncset.done @!p0 $0x0  }
0x8f: {  	[sflag:s0] =	ssyncadd.s32 @!p0 s1  }
0x90: {  	[bflag:$0x3] =	sbarrier.arrive $0xFFFF  }
0x91: {  	_ =	shalt  }

</sc_bundles>
